<compile_context>
chip_gen: v7x
topology: tpu7x:2x2x1
jax: 0.10.2.dev20260603
libtpu: 0.0.44.dev20260713+nightly
codegen_flags: <defaults>
</compile_context>

<pallas_src>
import functools

import jax
import jax.numpy as jnp
from jax import lax
from jax.experimental import pallas as pl
from jax.experimental.pallas import tpu as pltpu
from jax.experimental.pallas import tpu_sc as plsc

_NUM_CORES = 2
_NUM_SUBCORES = 16
_NUM_WORKERS = _NUM_CORES * _NUM_SUBCORES
def _chunk_schedule(rows):
    if rows % 8 == 0 and rows >= 64:
        eighth = rows // 8
        return (eighth, 3 * eighth, rows - 4 * eighth)
    return (rows,)


def _copy_body(table_hbm, out_hbm, bufs, in_sems, out_sems, *, rows_per_w, chunks):
    wid = lax.axis_index("s") * _NUM_CORES + lax.axis_index("c")
    base = wid * rows_per_w

    offs, o = [], 0
    for c in chunks:
        offs.append(o)
        o += c

    reads = []
    for b, (off, c) in enumerate(zip(offs, chunks)):
        r = pltpu.make_async_copy(
            table_hbm.at[pl.ds(base + off, c), :], bufs[b], in_sems[b]
        )
        r.start()
        reads.append(r)

    writes = []
    for b, (off, c) in enumerate(zip(offs, chunks)):
        reads[b].wait()
        w = pltpu.make_async_copy(
            bufs[b], out_hbm.at[pl.ds(base + off, c), :], out_sems[b]
        )
        w.start()
        writes.append(w)

    for w in writes:
        w.wait()


def kernel(x, table):
    seq_len = x.shape[1]
    d = table.shape[1]
    rows_per_w = seq_len // _NUM_WORKERS
    chunks = _chunk_schedule(rows_per_w)
    mesh = plsc.VectorSubcoreMesh(core_axis_name="c", subcore_axis_name="s")

    k = pl.kernel(
        functools.partial(_copy_body, rows_per_w=rows_per_w, chunks=chunks),
        out_type=jax.ShapeDtypeStruct((seq_len, d), jnp.float32),
        mesh=mesh,
        scratch_types=[
            [pltpu.VMEM((c, d), jnp.float32) for c in chunks],
            [pltpu.SemaphoreType.DMA for _ in chunks],
            [pltpu.SemaphoreType.DMA for _ in chunks],
        ],
    )
    return k(table)

# --- scband reference (transcript-rebuilt; emitter-appended) ---
"""Pipeline reference for scband-gene2-vec-positional-embedding-66443144069348 (READ-ONLY COPY).

The authoritative reference and input builder live on the scoring server;
editing this copy changes nothing except your own understanding.
"""

import jax, jax.numpy as jnp
import numpy as np


def setup_inputs(seed: int = 0) -> dict:
    key = jax.random.key(seed)
    k1, k2 = jax.random.split(key)
    # token ids; only x.shape[1] matters for this module, but keep realistic ids
    x = jax.random.randint(k1, (4, 8192), 0, 16906, dtype=jnp.int32)
    # gene2vec pretrained table: 16906 gene rows + 1 zero pad row, dim=200
    base = jax.random.normal(k2, (16906, 200), dtype=jnp.float32)
    pad = jnp.zeros((1, 200), dtype=jnp.float32)
    table = jnp.concatenate([base, pad], axis=0)  # [16907, 200]
    return {"x": x, "table": table}


def reference(x, table):
    # positional embedding lookup: rows 0..seq_len-1 of the frozen gene2vec table
    t = jnp.arange(x.shape[1])
    return jnp.take(table, t, axis=0)  # [seq_len, 200]

if __name__ == "__main__":
    import jax
    _d = setup_inputs()
    print(jax.jit(kernel)(*tuple(_d.values())))

</pallas_src>

<mosaic_0001>
#map = affine_map<(d0, d1) -> (0, 0)>
module attributes {stable_mosaic.version = 14 : i64} {
  func.func @_copy_body(%arg0: i32, %arg1: i32, %arg2: memref<16907x200xf32, #tpu.memory_space<hbm>>, %arg3: memref<8192x200xf32, #tpu.memory_space<hbm>>, %arg4: memref<32x200xf32, #tpu.memory_space<vmem>>, %arg5: memref<96x200xf32, #tpu.memory_space<vmem>>, %arg6: memref<128x200xf32, #tpu.memory_space<vmem>>, %arg7: memref<!tpu.dma_semaphore, #tpu.memory_space<semaphore_mem>>, %arg8: memref<!tpu.dma_semaphore, #tpu.memory_space<semaphore_mem>>, %arg9: memref<!tpu.dma_semaphore, #tpu.memory_space<semaphore_mem>>, %arg10: memref<!tpu.dma_semaphore, #tpu.memory_space<semaphore_mem>>, %arg11: memref<!tpu.dma_semaphore, #tpu.memory_space<semaphore_mem>>, %arg12: memref<!tpu.dma_semaphore, #tpu.memory_space<semaphore_mem>>) attributes {dimension_semantics = [#tpu.dimension_semantics<core_parallel>, #tpu.dimension_semantics<subcore_parallel>], iteration_bounds = array<i64: 2, 16>, scalar_prefetch = 0 : i64, scratch_operands = 9 : i64, tpu.core_type = #tpu.core_type<sc_vector_subcore>, window_params = [{transform_indices = #map}, {transform_indices = #map}]} {
    %mul3A = arith.constant 2 : i32
    %mul3A_0 = arith.muli %arg1, %mul3A : i32
    %add3A = arith.addi %mul3A_0, %arg0 : i32
    %mul3A_1 = arith.constant 256 : i32
    %mul3A_2 = arith.muli %add3A, %mul3A_1 : i32
    %add3A_3 = arith.constant 0 : i32
    %add3A_4 = arith.addi %mul3A_2, %add3A_3 : i32
    %dma_start3A = arith.constant 0 : i32
    %dma_start3A_5 = tpu.memref_slice %arg2[%add3A_4, %dma_start3A] : memref<16907x200xf32, #tpu.memory_space<hbm>> -> memref<32x200xf32, #tpu.memory_space<hbm>>
    %dma_start3A_6 = arith.constant 0 : i32
    %dma_start3A_7 = tpu.memref_slice %arg2[%add3A_4, %dma_start3A_6] : memref<16907x200xf32, #tpu.memory_space<hbm>> -> memref<32x200xf32, #tpu.memory_space<hbm>>
    tpu.enqueue_dma source(%dma_start3A_7 : memref<32x200xf32, #tpu.memory_space<hbm>>) target(%arg4 : memref<32x200xf32, #tpu.memory_space<vmem>>) target_semaphore(%arg7 : memref<!tpu.dma_semaphore, #tpu.memory_space<semaphore_mem>>)
    %add3A_8 = arith.constant 32 : i32
    %add3A_9 = arith.addi %mul3A_2, %add3A_8 : i32
    %dma_start3A_10 = arith.constant 0 : i32
    %dma_start3A_11 = tpu.memref_slice %arg2[%add3A_9, %dma_start3A_10] : memref<16907x200xf32, #tpu.memory_space<hbm>> -> memref<96x200xf32, #tpu.memory_space<hbm>>
    %dma_start3A_12 = arith.constant 0 : i32
    %dma_start3A_13 = tpu.memref_slice %arg2[%add3A_9, %dma_start3A_12] : memref<16907x200xf32, #tpu.memory_space<hbm>> -> memref<96x200xf32, #tpu.memory_space<hbm>>
    tpu.enqueue_dma source(%dma_start3A_13 : memref<96x200xf32, #tpu.memory_space<hbm>>) target(%arg5 : memref<96x200xf32, #tpu.memory_space<vmem>>) target_semaphore(%arg8 : memref<!tpu.dma_semaphore, #tpu.memory_space<semaphore_mem>>)
    %add3A_14 = arith.constant 128 : i32
    %add3A_15 = arith.addi %mul3A_2, %add3A_14 : i32
    %dma_start3A_16 = arith.constant 0 : i32
    %dma_start3A_17 = tpu.memref_slice %arg2[%add3A_15, %dma_start3A_16] : memref<16907x200xf32, #tpu.memory_space<hbm>> -> memref<128x200xf32, #tpu.memory_space<hbm>>
    %dma_start3A_18 = arith.constant 0 : i32
    %dma_start3A_19 = tpu.memref_slice %arg2[%add3A_15, %dma_start3A_18] : memref<16907x200xf32, #tpu.memory_space<hbm>> -> memref<128x200xf32, #tpu.memory_space<hbm>>
    tpu.enqueue_dma source(%dma_start3A_19 : memref<128x200xf32, #tpu.memory_space<hbm>>) target(%arg6 : memref<128x200xf32, #tpu.memory_space<vmem>>) target_semaphore(%arg9 : memref<!tpu.dma_semaphore, #tpu.memory_space<semaphore_mem>>)
    %dma_wait3A = arith.constant 0 : i32
    %dma_wait3A_20 = tpu.memref_slice %arg2[%add3A_4, %dma_wait3A] : memref<16907x200xf32, #tpu.memory_space<hbm>> -> memref<32x200xf32, #tpu.memory_space<hbm>>
    %dma_wait3A_21 = arith.constant 0 : i32
    %dma_wait3A_22 = tpu.memref_slice %arg2[%add3A_4, %dma_wait3A_21] : memref<16907x200xf32, #tpu.memory_space<hbm>> -> memref<32x200xf32, #tpu.memory_space<hbm>>
    tpu.wait_dma2 semaphore(%arg7 : memref<!tpu.dma_semaphore, #tpu.memory_space<semaphore_mem>>) src(%dma_wait3A_22 : memref<32x200xf32, #tpu.memory_space<hbm>>) dst(%arg4 : memref<32x200xf32, #tpu.memory_space<vmem>>)
    %add3A_23 = arith.constant 0 : i32
    %add3A_24 = arith.addi %mul3A_2, %add3A_23 : i32
    %dma_start3A_25 = arith.constant 0 : i32
    %dma_start3A_26 = tpu.memref_slice %arg3[%add3A_24, %dma_start3A_25] : memref<8192x200xf32, #tpu.memory_space<hbm>> -> memref<32x200xf32, #tpu.memory_space<hbm>>
    %dma_start3A_27 = arith.constant 0 : i32
    %dma_start3A_28 = tpu.memref_slice %arg3[%add3A_24, %dma_start3A_27] : memref<8192x200xf32, #tpu.memory_space<hbm>> -> memref<32x200xf32, #tpu.memory_space<hbm>>
    tpu.enqueue_dma source(%arg4 : memref<32x200xf32, #tpu.memory_space<vmem>>) target(%dma_start3A_28 : memref<32x200xf32, #tpu.memory_space<hbm>>) target_semaphore(%arg10 : memref<!tpu.dma_semaphore, #tpu.memory_space<semaphore_mem>>)
    %dma_wait3A_29 = arith.constant 0 : i32
    %dma_wait3A_30 = tpu.memref_slice %arg2[%add3A_9, %dma_wait3A_29] : memref<16907x200xf32, #tpu.memory_space<hbm>> -> memref<96x200xf32, #tpu.memory_space<hbm>>
    %dma_wait3A_31 = arith.constant 0 : i32
    %dma_wait3A_32 = tpu.memref_slice %arg2[%add3A_9, %dma_wait3A_31] : memref<16907x200xf32, #tpu.memory_space<hbm>> -> memref<96x200xf32, #tpu.memory_space<hbm>>
    tpu.wait_dma2 semaphore(%arg8 : memref<!tpu.dma_semaphore, #tpu.memory_space<semaphore_mem>>) src(%dma_wait3A_32 : memref<96x200xf32, #tpu.memory_space<hbm>>) dst(%arg5 : memref<96x200xf32, #tpu.memory_space<vmem>>)
    %add3A_33 = arith.constant 32 : i32
    %add3A_34 = arith.addi %mul3A_2, %add3A_33 : i32
    %dma_start3A_35 = arith.constant 0 : i32
    %dma_start3A_36 = tpu.memref_slice %arg3[%add3A_34, %dma_start3A_35] : memref<8192x200xf32, #tpu.memory_space<hbm>> -> memref<96x200xf32, #tpu.memory_space<hbm>>
    %dma_start3A_37 = arith.constant 0 : i32
    %dma_start3A_38 = tpu.memref_slice %arg3[%add3A_34, %dma_start3A_37] : memref<8192x200xf32, #tpu.memory_space<hbm>> -> memref<96x200xf32, #tpu.memory_space<hbm>>
    tpu.enqueue_dma source(%arg5 : memref<96x200xf32, #tpu.memory_space<vmem>>) target(%dma_start3A_38 : memref<96x200xf32, #tpu.memory_space<hbm>>) target_semaphore(%arg11 : memref<!tpu.dma_semaphore, #tpu.memory_space<semaphore_mem>>)
    %dma_wait3A_39 = arith.constant 0 : i32
    %dma_wait3A_40 = tpu.memref_slice %arg2[%add3A_15, %dma_wait3A_39] : memref<16907x200xf32, #tpu.memory_space<hbm>> -> memref<128x200xf32, #tpu.memory_space<hbm>>
    %dma_wait3A_41 = arith.constant 0 : i32
    %dma_wait3A_42 = tpu.memref_slice %arg2[%add3A_15, %dma_wait3A_41] : memref<16907x200xf32, #tpu.memory_space<hbm>> -> memref<128x200xf32, #tpu.memory_space<hbm>>
    tpu.wait_dma2 semaphore(%arg9 : memref<!tpu.dma_semaphore, #tpu.memory_space<semaphore_mem>>) src(%dma_wait3A_42 : memref<128x200xf32, #tpu.memory_space<hbm>>) dst(%arg6 : memref<128x200xf32, #tpu.memory_space<vmem>>)
    %add3A_43 = arith.constant 128 : i32
    %add3A_44 = arith.addi %mul3A_2, %add3A_43 : i32
    %dma_start3A_45 = arith.constant 0 : i32
    %dma_start3A_46 = tpu.memref_slice %arg3[%add3A_44, %dma_start3A_45] : memref<8192x200xf32, #tpu.memory_space<hbm>> -> memref<128x200xf32, #tpu.memory_space<hbm>>
    %dma_start3A_47 = arith.constant 0 : i32
    %dma_start3A_48 = tpu.memref_slice %arg3[%add3A_44, %dma_start3A_47] : memref<8192x200xf32, #tpu.memory_space<hbm>> -> memref<128x200xf32, #tpu.memory_space<hbm>>
    tpu.enqueue_dma source(%arg6 : memref<128x200xf32, #tpu.memory_space<vmem>>) target(%dma_start3A_48 : memref<128x200xf32, #tpu.memory_space<hbm>>) target_semaphore(%arg12 : memref<!tpu.dma_semaphore, #tpu.memory_space<semaphore_mem>>)
    %dma_wait3A_49 = arith.constant 0 : i32
    %dma_wait3A_50 = tpu.memref_slice %arg3[%add3A_24, %dma_wait3A_49] : memref<8192x200xf32, #tpu.memory_space<hbm>> -> memref<32x200xf32, #tpu.memory_space<hbm>>
    %dma_wait3A_51 = arith.constant 0 : i32
    %dma_wait3A_52 = tpu.memref_slice %arg3[%add3A_24, %dma_wait3A_51] : memref<8192x200xf32, #tpu.memory_space<hbm>> -> memref<32x200xf32, #tpu.memory_space<hbm>>
    tpu.wait_dma2 semaphore(%arg10 : memref<!tpu.dma_semaphore, #tpu.memory_space<semaphore_mem>>) src(%arg4 : memref<32x200xf32, #tpu.memory_space<vmem>>) dst(%dma_wait3A_52 : memref<32x200xf32, #tpu.memory_space<hbm>>)
    %dma_wait3A_53 = arith.constant 0 : i32
    %dma_wait3A_54 = tpu.memref_slice %arg3[%add3A_34, %dma_wait3A_53] : memref<8192x200xf32, #tpu.memory_space<hbm>> -> memref<96x200xf32, #tpu.memory_space<hbm>>
    %dma_wait3A_55 = arith.constant 0 : i32
    %dma_wait3A_56 = tpu.memref_slice %arg3[%add3A_34, %dma_wait3A_55] : memref<8192x200xf32, #tpu.memory_space<hbm>> -> memref<96x200xf32, #tpu.memory_space<hbm>>
    tpu.wait_dma2 semaphore(%arg11 : memref<!tpu.dma_semaphore, #tpu.memory_space<semaphore_mem>>) src(%arg5 : memref<96x200xf32, #tpu.memory_space<vmem>>) dst(%dma_wait3A_56 : memref<96x200xf32, #tpu.memory_space<hbm>>)
    %dma_wait3A_57 = arith.constant 0 : i32
    %dma_wait3A_58 = tpu.memref_slice %arg3[%add3A_44, %dma_wait3A_57] : memref<8192x200xf32, #tpu.memory_space<hbm>> -> memref<128x200xf32, #tpu.memory_space<hbm>>
    %dma_wait3A_59 = arith.constant 0 : i32
    %dma_wait3A_60 = tpu.memref_slice %arg3[%add3A_44, %dma_wait3A_59] : memref<8192x200xf32, #tpu.memory_space<hbm>> -> memref<128x200xf32, #tpu.memory_space<hbm>>
    tpu.wait_dma2 semaphore(%arg12 : memref<!tpu.dma_semaphore, #tpu.memory_space<semaphore_mem>>) src(%arg6 : memref<128x200xf32, #tpu.memory_space<vmem>>) dst(%dma_wait3A_60 : memref<128x200xf32, #tpu.memory_space<hbm>>)
    return
  }
}

</mosaic_0001>

<sc_bundles>
// kernel: kernel.3.cloned.1.call-start
scs
__scs_entry_jumppad:
0x0: {  	(pc) =	sbr.rel $0x88, $3  }
0x1: {  	(tag) =	ssettag $0x0;
	lr =	simm.s32 $0x1  }
0x2: {  	[smem:$0x3FA0] =	sst lr;
	_ =	strace $0xD0000000  }
0x3: {  	_ = 	snop  }
0x4: {  	_ = 	snop  }
0x5: {  	_ = 	snop  }
0x6: {  	_ = 	snop  }
0x7: {  	_ = 	snop  }
__scs_overlays_trampoline_lowered:
0x8: {  	[smem:$0x3FAF] =	sst s0  }
0x9: {  	[smem:$0x3FB0] =	sst s1  }
0xa: {  	[smem:$0x3FB1] =	sst s2  }
0xb: {  	[smem:$0x3FB2] =	sst s3  }
0xc: {  	[smem:$0x3FB3] =	sst s4  }
0xd: {  	[smem:$0x3FB4] =	sst s5  }
0xe: {  	[smem:$0x3FB5] =	sst s6  }
0xf: {  	[smem:$0x3FB6] =	sst s7  }
0x10: {  	[smem:$0x3FB7] =	sst s8  }
0x11: {  	[smem:$0x3FB8] =	sst s9;
	s0 =	simm.s32 @!p0 $0x0  }
0x12: {  	s1 =	sld [smem:$0x3F9E];
	s0 =	simm.s32 @p0 $0x1  }
0x13: {  	[smem:$0x3FB9] =	sst s0;
	s0 =	simm.s32 @!p1 $0x0  }
0x14: {  	s2 =	sld [smem:$0x3F9D];
	s0 =	simm.s32 @p1 $0x1  }
0x15: {  	[smem:$0x3FBA] =	sst s0;
	s0 =	simm.s32 @!p2 $0x0  }
0x16: {  	s3 =	sld [smem:$0x3FDB];
	s0 =	simm.s32 @p2 $0x1  }
0x17: {  	s4 =	simm.s32 $0x1BF5;
	[smem:$0x3FBC] =	sst s0  }
0x18: {  	s0 =	sld [smem:$0x3F9F];
	_ =	swait.ge [sflag:s4], $0x0  }
0x19: {  	s7 =	sld [smem:$0x3FA0]  }
0x1a: {  	s8 =	sadd.s32 $0xFFFFE003, lr  }
0x1b: {  	s9 =	sadd.s32 $0xFFFFFEF7, lr;
	s5 =	simm.s32 $0xFFFFFFFF;
	p2 =	slt.u32 s8, $0xFFFFF086  }
0x1c: {  	p1 =	slt.u32 s9, $0xF7A;
	s5 =	simm.s32 @!p2 $0x0  }
0x1d: {  	s5 =	simm.s32 @p1 $0x1;
	p0 =	seq.s32 s7, s2  }
0x1e: {  	s7 =	smul.u32 @!p0 $0xF7A, s2;
	p2 =	seq.s32 @!p0 s5, $0x0  }
0x1f: {  	s9 =	smul.u32 $0xF7A, s1;
	s8 =	simm.s32 @!p0 $0x1BF5;
	p2 =	por !p2, p0  }
0x20: {  	[sflag:s8] =	ssyncset.s32 @!p0 $0xFFFFF086;
	s6 =	sadd.s32 @!p0 s3, s7;
	s7 =	simm.s32 @!p0 $0x108  }
0x21: {  	s3 =	sadd.s32 s3, s9;
	s6 =	sadd.s32 @!p0 $0x88, s6;
	s7 =	simm.s32 @p2 $0x1082  }
0x22: {  	[simem:s7], [sflag:s8] =	dma.local @!p0 [hbm:s6], $0xF7A  }
0x23: {  	s9 =	sor.u32 $0xD0000000, s2;
	s6 =	simm.s32 $0x108;
	_ =	swait.ge @!p0 [sflag:s8], $0x0  }
0x24: {  	s3 =	sadd.s32 $0x88, s3;
	s6 =	simm.s32 @!p1 $0x1082;
	[sflag:s4] =	ssyncset.s32 $0xFFFFF086  }
0x25: {  	[simem:s6], [sflag:s4] =	dma.local [hbm:s3], $0xF7A  }
0x26: {  	[smem:$0x3FA0] =	sst s1;
	(tag) =	ssettag s2;
	_ =	strace s9  }
0x27: {  	s1 =	sld [smem:$0x3FB0]  }
0x28: {  	s2 =	sld [smem:$0x3FB1]  }
0x29: {  	s4 =	sld [smem:$0x3FB3]  }
0x2a: {  	p0 =	seq.s32 s5, $0x0;
	s5 =	sld [smem:$0x3FB4]  }
0x2b: {  	s6 =	sld [smem:$0x3FB5]  }
0x2c: {  	s7 =	sld [smem:$0x3FB6]  }
0x2d: {  	s3 =	simm.s32 $0x108;
	s8 =	sld [smem:$0x3FB7]  }
0x2e: {  	s3 =	simm.s32 @!p0 $0x1082;
	s9 =	sld [smem:$0x3FB8]  }
0x2f: {  	lr =	sadd.s32 s0, s3;
	s0 =	sld [smem:$0x3FAF]  }
0x30: {  	s3 =	sld [smem:$0x3FB2]  }
0x31: {  	[smem:$0x3FBB] =	sst s10  }
0x32: {  	s10 =	sld [smem:$0x3FB9];
	_ =	sdelay $0x3  }
0x33: {  	p0 =	seq.s32 s10, $0x1;
	s10 =	sld [smem:$0x3FBB];
	_ =	sdelay $0x3  }
0x34: {  	[smem:$0x3FBB] =	sst s10  }
0x35: {  	s10 =	sld [smem:$0x3FBA];
	_ =	sdelay $0x3  }
0x36: {  	p1 =	seq.s32 s10, $0x1;
	s10 =	sld [smem:$0x3FBB];
	_ =	sdelay $0x3  }
0x37: {  	[smem:$0x3FBB] =	sst s10  }
0x38: {  	s10 =	sld [smem:$0x3FBC]  }
0x39: {  	_ = 	snop;
	(pc) =	sbr.ind lr, $3  }
0x3a: {  	_ = 	snop  }
0x3b: {  	_ = 	snop  }
0x3c: {  	p2 =	seq.s32 s10, $0x1;
	s10 =	sld [smem:$0x3FBB]  }
0x3d: {  	_ =	shalt  }
0x3e: {  	_ =	shalt  }
0x3f: {  	_ =	shalt  }
0x40: {  	_ =	shalt  }
0x41: {  	_ =	shalt  }
0x42: {  	_ =	shalt  }
0x43: {  	_ =	shalt  }
0x44: {  	_ =	shalt  }
0x45: {  	_ =	shalt  }
0x46: {  	_ =	shalt  }
0x47: {  	_ =	shalt  }
0x48: {  	_ =	shalt  }
0x49: {  	_ =	shalt  }
0x4a: {  	_ =	shalt  }
0x4b: {  	_ =	shalt  }
0x4c: {  	_ =	shalt  }
0x4d: {  	_ =	shalt  }
0x4e: {  	_ =	shalt  }
0x4f: {  	_ =	shalt  }
0x50: {  	_ =	shalt  }
0x51: {  	_ =	shalt  }
0x52: {  	_ =	shalt  }
0x53: {  	_ =	shalt  }
0x54: {  	_ =	shalt  }
0x55: {  	_ =	shalt  }
0x56: {  	_ =	shalt  }
0x57: {  	_ =	shalt  }
0x58: {  	_ =	shalt  }
0x59: {  	_ =	shalt  }
0x5a: {  	_ =	shalt  }
0x5b: {  	_ =	shalt  }
0x5c: {  	_ =	shalt  }
0x5d: {  	_ =	shalt  }
0x5e: {  	_ =	shalt  }
0x5f: {  	_ =	shalt  }
0x60: {  	_ =	shalt  }
0x61: {  	_ =	shalt  }
0x62: {  	_ =	shalt  }
0x63: {  	_ =	shalt  }
0x64: {  	_ =	shalt  }
0x65: {  	_ =	shalt  }
0x66: {  	_ =	shalt  }
0x67: {  	_ =	shalt  }
0x68: {  	_ =	shalt  }
0x69: {  	_ =	shalt  }
0x6a: {  	_ =	shalt  }
0x6b: {  	_ =	shalt  }
0x6c: {  	_ =	shalt  }
0x6d: {  	_ =	shalt  }
0x6e: {  	_ =	shalt  }
0x6f: {  	_ =	shalt  }
0x70: {  	_ =	shalt  }
0x71: {  	_ =	shalt  }
0x72: {  	_ =	shalt  }
0x73: {  	_ =	shalt  }
0x74: {  	_ =	shalt  }
0x75: {  	_ =	shalt  }
0x76: {  	_ =	shalt  }
0x77: {  	_ =	shalt  }
0x78: {  	_ =	shalt  }
0x79: {  	_ =	shalt  }
0x7a: {  	_ =	shalt  }
0x7b: {  	_ =	shalt  }
0x7c: {  	_ =	shalt  }
0x7d: {  	_ =	shalt  }
0x7e: {  	_ =	shalt  }
0x7f: {  	_ =	shalt  }
0x80: {  	_ =	shalt  }
0x81: {  	_ =	shalt  }
0x82: {  	_ =	shalt  }
0x83: {  	_ =	shalt  }
0x84: {  	_ =	shalt  }
0x85: {  	_ =	shalt  }
0x86: {  	_ =	shalt  }
0x87: {  	_ =	shalt  }
.Lfunc_end0:
.L_simem_size_0:
called_computation_lowered:
.L_overlay_start_0:
0x88: {  	s2 =	sld [smem:$0x3FD9]  }
0x89: {  	s3 =	sld [smem:$0x3FFE];
	_ =	sdelay $0x1  }
0x8a: {  	s1 =	srdreg.scid  }
0x8b: {  	s0 =	sand.u32 $0x1, s1  }
0x8c: {  	s16 =	sshll.u32 s0, $0xA;
	s2 =	sadd.s32 s3, s2  }
0x8d: {  	s2 =	sadd.s32 s2, s16  }
0x8e: {  	[smem:$0x3FC7] =	sst s2  }
0x8f: {  	_ = 	snop  }
0x90: {  	(tm) =	ssettm $0x1  }
0x91: {  	s17 =	sld [smem:$0x3FFB];
	_ =	sdelay $0x3  }
0x92: {  	_ =	strace s17  }
0x93: {  	s2 =	sld [smem:$0x3FFC];
	_ =	sdelay $0x3  }
0x94: {  	_ =	strace s2  }
0x95: {  	s2 =	sld [smem:$0x3FFD];
	_ =	sdelay $0x3  }
0x96: {  	_ =	strace s2  }
0x97: {  	_ =	strace $0x8FFFFFFF  }
0x98: {  	s18 =	sld [smem:$0x3FDB];
	_ =	sdelay $0x1  }
0x99: {  	s19 =	simm.s32 $_scs_section_size  }
0x9a: {  	s4 =	simm.s32 $_size__tile_overlayer_lowered;
	s5 =	simm.s32 $_tile_overlayer_lowered  }
0x9b: {  	s22 =	simm.s32 $0x1BFF;
	s21 =	sshll.u32 s5, $0x1;
	s2 =	sadd.s32 s19, s18  }
0x9c: {  	s6 =	simm.s32 $0x0;
	s20 =	sshll.u32 s4, $0x1;
	s4 =	sadd.s32 s21, s2  }
0x9d: {  	[timem:s6], [sflag:s22] =	dma.local [hbm:s4], s20  }
0x9e: {  	_ =	swait.ge [sflag:s22], s20  }
0x9f: {  	s3 =	ssub.s32 $0x0, s20;
	[sflag:s22] =	ssyncset.done $0x0  }
0xa0: {  	[sflag:s22] =	ssyncadd.s32 s3;
	_ =	sdelay $0x1  }
0xa1: {  	s23 =	simm.s32 $0x1B8B  }
0xa2: {  	_ =	swait.ge [sflag:s23], $0x1  }
0xa3: {  	[sflag:s23] =	ssyncset.done $0x0  }
0xa4: {  	s25 =	simm.s32 $0x1B8E;
	s24 =	sld [smem:$0x3FFE];
	[sflag:s23] =	ssyncadd.s32 $0xFFFFFFFF  }
0xa5: {  	s26 =	simm.s32 $execute0_lowered;
	[smem:$0x3FD2] =	sst s25  }
0xa6: {  	s4 =	sshll.u32 s26, $0x1;
	_ =	strace $0x80000046;
	[dreg:$0x1] =	wrdreg $0xFFFFFFFF  }
0xa7: {  	s28 =	simm.s32 $_size_execute0_lowered;
	s2 =	sadd.s32 s2, s4;
	[dreg:$0x0] =	wrdreg $0x0  }
0xa8: {  	s4 =	sshll.u32 s28, $0x1;
	[dreg:$0x2] =	wrdreg s2  }
0xa9: {  	[dreg:$0x3] =	wrdreg s4  }
0xaa: {  	[dreg:$0x4] =	wrdreg $0xC0  }
0xab: {  	_ =	task [dreg:s6], $0x5FFFF  }
0xac: {  	[dreg:$0x1] =	wrdreg $0xFFFFFFFF  }
0xad: {  	[dreg:$0x0] =	wrdreg $0x60  }
0xae: {  	[dreg:$0x2] =	wrdreg s24  }
0xaf: {  	[dreg:$0x3] =	wrdreg $0x9  }
0xb0: {  	_ =	task.clear_ibuf [dreg:s6], $0x4FFFF;
	_ =	strace $0x90000046  }
0xb1: {  	s29 =	simm.s32 $0x9;
	_ =	strace $0x80000048  }
0xb2: {  	_ =	swait.ge [sflag:s29], $0x1  }
0xb3: {  	[sflag:s29] =	ssyncadd.s32 $0xFFFFFFFF  }
0xb4: {  	_ =	strace $0x90000048  }
0xb5: {  	_ =	sfence  }
0xb6: {  	s30 =	sld [smem:$0x0];
	_ =	sdelay $0x2  }
0xb7: {  	s31 =	sshll.u32 s1, $0xD;
	s1 =	sshrl.u32 s1, $0x2  }
0xb8: {  	s3 =	sand.u32 $0x4000, s31;
	s1 =	sadd.s32 s1, s30  }
0xb9: {  	s0 =	sor.u32 s3, s0;
	s1 =	sshll.u32 s1, $0x11  }
0xba: {  	s0 =	sor.u32 s1, s0  }
0xbb: {  	s0 =	sadd.s32 $0x8F2B, s0  }
0xbc: {  	[sflag:s0] =	ssyncadd.remote.s32 $0x1  }
0xbd: {  	_ =	sfence.sel $0xFFFF  }
0xbe: {  	[dreg:$0x0] =	wrdreg $0xFFFFFFFF;
	(pc) =	sbr.abs _section_cstart, $3  }
0xbf: {  	[dreg:$0x1] =	wrdreg $0xFFFFFFFF  }
0xc0: {  	_ =	task.clear_ibuf [dreg:s6], $0x2FFFF;
	_ =	strace $0x9FFFFFFF  }
0xc1: {  	(tm) =	ssettm $0x7FFFFFFF  }
tec
execute0_lowered:
.L_overlay_start_1:
0x0: {  	(tag) =	ssettag $0x1  }
0x1: {  	s9 =	rddreg [dreg:$0x0];
	s2 =	srdreg.scid  }
0x2: {  	s0 =	rddreg [dreg:$0x1];
	s1 =	stileid.u32;
	s15 =	sand.u32 $0x1, s2  }
0x3: {  	s2 =	simm.s32 $0x0;
	s3 =	sshll.u32 s1, $0xE;
	s4 =	sshll.u32 s15, $0xD  }
0x4: {  	s6 =	sadd.s32 $0x400, s9;
	[smem:$0x7FF] =	sst s2;
	s10 =	sor.u32 s4, s3  }
0x5: {  	_ =	strace $0x80000047;
	s3 =	sadd.s32 s6, s10;
	s11 =	sor.u32 $0x400, s10  }
0x6: {  	[tilespmem:s2], [sflag:$0x1] =	stream.linear.gather [hbm4b:s3+s2], $0x2000, $0x38;
	[tilespmem:$0x10000] =	vst v63  }
0x7: {  	s5 =	simm.s32 $0x2000;
	s13 =	sor.u32 $0x1000, s10;
	s4 =	sadd.s32 s6, s11  }
0x8: {  	[tilespmem:s5], [sflag:$0x2] =	stream.linear.gather [hbm4b:s4+s2], $0x6000, $0x38;
	[tilespmem:$0x10000] =	vst v63  }
0x9: {  	s7 =	simm.s32 $0x8000;
	s8 =	simm.s32 $0x1;
	s6 =	sadd.s32 s6, s13  }
0xa: {  	[tilespmem:s7], [sflag:$0x3] =	stream.linear.gather [hbm4b:s6+s2], $0x8000, $0x38;
	[tilespmem:$0x10000] =	vst v63  }
0xb: {  	_ =	swait.ge [sflag:s8], $0x2000  }
0xc: {  	s14 =	sadd.s32 $0x84600, s9;
	[sflag:s8] =	ssyncset.done $0x0  }
0xd: {  	s9 =	sadd.s32 s14, s10;
	s10 =	simm.s32 $0x2;
	[sflag:s8] =	ssyncadd.s32 $0xFFFFE000  }
0xe: {  	[hbm4b:s9+s2] =	stream.linear.scatter [tilespmem:s2], [sflag:$0x4], $0x2000, $0x38;
	[tilespmem:$0x10000] =	vst v63  }
0xf: {  	_ =	swait.ge [sflag:s10], $0x6000  }
0x10: {  	[sflag:s10] =	ssyncset.done $0x0  }
0x11: {  	s12 =	simm.s32 $0x3;
	s11 =	sadd.s32 s14, s11;
	[sflag:s10] =	ssyncadd.s32 $0xFFFFA000  }
0x12: {  	[hbm4b:s11+s2] =	stream.linear.scatter [tilespmem:s5], [sflag:$0x5], $0x6000, $0x38;
	[tilespmem:$0x10000] =	vst v63  }
0x13: {  	s16 =	ssub.s32 $0x2, s15;
	_ =	swait.ge [sflag:s12], $0x8000  }
0x14: {  	s17 =	sshrl.u32 s16, $0x1;
	[sflag:s12] =	ssyncset.done $0x0  }
0x15: {  	s13 =	sadd.s32 s14, s13;
	s14 =	simm.s32 $0x4;
	[sflag:s12] =	ssyncadd.s32 $0xFFFF8000  }
0x16: {  	[hbm4b:s13+s2] =	stream.linear.scatter [tilespmem:s7], [sflag:$0x6], $0x8000, $0x38;
	[tilespmem:$0x10000] =	vst v63  }
0x17: {  	s16 =	ssub.s32 s16, s17;
	_ =	swait.ge [sflag:s14], $0x2000  }
0x18: {  	s17 =	smax.u32 s16, $0x1;
	[sflag:s14] =	ssyncset.done $0x0  }
0x19: {  	s15 =	simm.s32 $0x5;
	p0 =	sne.s32 s17, $0x1;
	[sflag:s14] =	ssyncadd.s32 $0xFFFFE000  }
.Ltmp0:
0x1a: {  	_ =	swait.ge [sflag:s15], $0x6000;
	(pc) =	sbr.rel @!p0 .LBB2_2-.Ltmp0, $4  }
0x1b: {  	[sflag:s15] =	ssyncset.done $0x0  }
0x1c: {  	s16 =	simm.s32 $0x6;
	[sflag:s15] =	ssyncadd.s32 $0xFFFFA000  }
0x1d: {  	_ =	swait.ge [sflag:s16], $0x8000  }
0x1e: {  	s17 =	sadd.s32 $0xFFFFFFFF, s17;
	[sflag:s16] =	ssyncset.done $0x0  }
.LBB2_1:
0x1f: {  	p0 =	sne.s32 s17, $0x1;
	s17 =	sadd.s32 $0xFFFFFFFF, s17;
	[sflag:s16] =	ssyncadd.s32 $0xFFFF8000  }
0x20: {  	[tilespmem:s2], [sflag:$0x1] =	stream.linear.gather [hbm4b:s3+s2], $0x2000, $0x38;
	[tilespmem:$0x10000] =	vst v63  }
0x21: {  	_ = 	snop  }
0x22: {  	[tilespmem:s5], [sflag:$0x2] =	stream.linear.gather [hbm4b:s4+s2], $0x6000, $0x38;
	[tilespmem:$0x10000] =	vst v63  }
0x23: {  	_ = 	snop  }
0x24: {  	[tilespmem:s7], [sflag:$0x3] =	stream.linear.gather [hbm4b:s6+s2], $0x8000, $0x38;
	[tilespmem:$0x10000] =	vst v63  }
0x25: {  	_ =	swait.ge [sflag:s8], $0x2000  }
0x26: {  	[sflag:s8] =	ssyncset.done $0x0  }
0x27: {  	[sflag:s8] =	ssyncadd.s32 $0xFFFFE000  }
0x28: {  	[hbm4b:s9+s2] =	stream.linear.scatter [tilespmem:s2], [sflag:$0x4], $0x2000, $0x38;
	[tilespmem:$0x10000] =	vst v63  }
0x29: {  	_ =	swait.ge [sflag:s10], $0x6000  }
0x2a: {  	[sflag:s10] =	ssyncset.done $0x0  }
0x2b: {  	[sflag:s10] =	ssyncadd.s32 $0xFFFFA000  }
0x2c: {  	[hbm4b:s11+s2] =	stream.linear.scatter [tilespmem:s5], [sflag:$0x5], $0x6000, $0x38;
	[tilespmem:$0x10000] =	vst v63  }
0x2d: {  	_ =	swait.ge [sflag:s12], $0x8000  }
0x2e: {  	[sflag:s12] =	ssyncset.done $0x0  }
0x2f: {  	[sflag:s12] =	ssyncadd.s32 $0xFFFF8000  }
0x30: {  	[hbm4b:s13+s2] =	stream.linear.scatter [tilespmem:s7], [sflag:$0x6], $0x8000, $0x38;
	[tilespmem:$0x10000] =	vst v63  }
0x31: {  	_ =	swait.ge [sflag:s14], $0x2000  }
0x32: {  	[sflag:s14] =	ssyncset.done $0x0  }
0x33: {  	[sflag:s14] =	ssyncadd.s32 $0xFFFFE000  }
.Ltmp1:
0x34: {  	_ =	swait.ge [sflag:s15], $0x6000;
	(pc) =	sbr.rel @p0 .LBB2_1-.Ltmp1, $4  }
0x35: {  	[sflag:s15] =	ssyncset.done $0x0  }
0x36: {  	[sflag:s15] =	ssyncadd.s32 $0xFFFFA000  }
0x37: {  	_ =	swait.ge [sflag:s16], $0x8000  }
0x38: {  	[sflag:s16] =	ssyncset.done $0x0  }
.LBB2_2:
0x39: {  	[sflag:s16] =	ssyncadd.s32 $0xFFFF8000  }
0x3a: {  	_ =	sfence.sel $0x180000  }
0x3b: {  	[bflag:$0x0] =	sbarrier.arrive $0xFFFF  }
0x3c: {  	p0 =	sne.s32 s1, $0x0;
	_ =	strace $0x90000047  }
0x3d: {  	s0 =	sadd.s32 @!p0 $0x100000, s0;
	[bflag:$0x2] =	sbarrier.arrive $0xFFFF  }
0x3e: {  	[sflag:s0] =	ssyncadd.tile.s32 @!p0 $0x1;
	_ =	shalt  }
.Lfunc_end2:
_tile_overlayer_lowered:
.L_overlay_start_2:
0x3f: {  	(tag) =	ssettag $0x2  }
0x40: {  	s0 =	rddreg [dreg:$0x0];
	s2 =	stileid.u32  }
0x41: {  	s1 =	rddreg [dreg:$0x1];
	p0 =	sne.s32 s2, $0x0  }
0x42: {  	s3 =	rddreg [dreg:$0x2];
	[bflag:$0x3] =	sbarrier.arrive $0xFFFF;
	s2 =	simm.s32 @!p0 $0x1C07  }
0x43: {  	[timem:s3], [sflag:s2] =	dma.local @!p0 [hbm:s0], s1  }
0x44: {  	s0 =	simm.s32 @!p0 $0x7  }
0x45: {  	_ =	swait.ge @!p0 [sflag:s0], s1  }
0x46: {  	s1 =	ssub.s32 @!p0 $0x0, s1;
	[sflag:s0] =	ssyncset.done @!p0 $0x0  }
0x47: {  	[sflag:s0] =	ssyncadd.s32 @!p0 s1  }
0x48: {  	[bflag:$0x3] =	sbarrier.arrive $0xFFFF  }
0x49: {  	_ =	shalt  }

</sc_bundles>
